<compile_context>
chip_gen: v7x
topology: tpu7x:2x2x1
jax: 0.10.2.dev20260603
libtpu: 0.0.44.dev20260713+nightly
codegen_flags: <defaults>
</compile_context>

<pallas_src>
import functools

import jax
import jax.numpy as jnp
from jax import lax
from jax.experimental import pallas as pl
from jax.experimental.pallas import tpu as pltpu
from jax.experimental.pallas import tpu_sc as plsc

_VOCAB = 1024
_EMBED = 256
_ZCH = 384
_NUM_GROUPS = 32
_GSIZE = _ZCH // _NUM_GROUPS
_EPS = 1e-6
_HW = 1024


def _encode_body(x_ref, m_ref, d_ref, scale_ref, bias_ref, pre_w_ref, cb_ref,
                 cn_ref, z_ref, tok_ref):
    xb = x_ref[0]
    xn = (xb - m_ref[0]) / d_ref[0]
    xhat = xn * scale_ref[...] + bias_ref[...]
    z = jnp.dot(pre_w_ref[...], xhat, preferred_element_type=jnp.float32)
    z_ref[0] = z
    cb = cb_ref[...]
    zn = jnp.sum(z * z, axis=0, keepdims=True)
    mm = jnp.dot(cb, z, preferred_element_type=jnp.float32)
    dist = (zn + cn_ref[...]) - 2.0 * mm
    vmin = jnp.min(dist, axis=0, keepdims=True)
    vid = lax.broadcasted_iota(jnp.int32, (_VOCAB, _HW), 0)
    idx = jnp.min(jnp.where(dist == vmin, vid, _VOCAB), axis=0)
    tok_ref[0, 0] = idx.astype(jnp.int32)


def _encode(x3, mean_c, d_c, gn_scale, gn_bias, pre_w, codebook, cn2):
    b = x3.shape[0]
    return pl.pallas_call(
        _encode_body,
        grid=(b,),
        in_specs=[
            pl.BlockSpec((1, _ZCH, _HW), lambda i: (i, 0, 0)),
            pl.BlockSpec((1, _ZCH, 1), lambda i: (i, 0, 0)),
            pl.BlockSpec((1, _ZCH, 1), lambda i: (i, 0, 0)),
            pl.BlockSpec((_ZCH, 1), lambda i: (0, 0)),
            pl.BlockSpec((_ZCH, 1), lambda i: (0, 0)),
            pl.BlockSpec((_EMBED, _ZCH), lambda i: (0, 0)),
            pl.BlockSpec((_VOCAB, _EMBED), lambda i: (0, 0)),
            pl.BlockSpec((_VOCAB, 1), lambda i: (0, 0)),
        ],
        out_specs=[
            pl.BlockSpec((1, _EMBED, _HW), lambda i: (i, 0, 0)),
            pl.BlockSpec((1, 1, _HW), lambda i: (i, 0, 0)),
        ],
        out_shape=[
            jax.ShapeDtypeStruct((b, _EMBED, _HW), jnp.float32),
            jax.ShapeDtypeStruct((b, 1, _HW), jnp.int32),
        ],
    )(x3, mean_c, d_c, gn_scale.reshape(_ZCH, 1), gn_bias.reshape(_ZCH, 1),
      pre_w, codebook, cn2)


def _make_sc_gather(n_tokens):
    info = plsc.get_sparse_core_info()
    nw = info.num_cores * info.num_subcores
    bpw = n_tokens // nw
    nch = 4
    ch = bpw // nch
    mesh = plsc.VectorSubcoreMesh(core_axis_name="c", subcore_axis_name="s")

    @functools.partial(
        pl.kernel,
        mesh=mesh,
        out_type=jax.ShapeDtypeStruct((n_tokens, _EMBED), jnp.float32),
        scratch_types=[
            pltpu.VMEM((bpw,), jnp.int32),
            [pltpu.VMEM((ch, _EMBED), jnp.float32) for _ in range(nch)],
            [pltpu.SemaphoreType.DMA for _ in range(nch)],
            [pltpu.SemaphoreType.DMA for _ in range(nch)],
        ],
    )
    def gather(cb_hbm, idx_hbm, out_hbm, idx_v, rows, gsems, ssems):
        wid = lax.axis_index("s") * info.num_cores + lax.axis_index("c")
        base = wid * bpw
        pltpu.sync_copy(idx_hbm.at[pl.ds(base, bpw)], idx_v)
        gcps = [
            pltpu.async_copy(cb_hbm.at[idx_v.at[pl.ds(j * ch, ch)]],
                             rows[j], gsems[j])
            for j in range(nch)
        ]
        scps = []
        for j in range(nch):
            gcps[j].wait()
            scps.append(pltpu.async_copy(
                rows[j], out_hbm.at[pl.ds(base + j * ch, ch)], ssems[j]))
        for cp in scps:
            cp.wait()

    return gather


def _decode_body(zq_ref, post_w_ref, post_b_ref, rec_ref):
    zq_t = zq_ref[0]
    rec = lax.dot_general(
        post_w_ref[...], zq_t, (((1,), (1,)), ((), ())),
        preferred_element_type=jnp.float32,
    )
    rec_ref[0] = rec + post_b_ref[...]


def _decode(zq_flat3, post_w, post_b):
    b = zq_flat3.shape[0]
    return pl.pallas_call(
        _decode_body,
        grid=(b,),
        in_specs=[
            pl.BlockSpec((1, _HW, _EMBED), lambda i: (i, 0, 0)),
            pl.BlockSpec((_ZCH, _EMBED), lambda i: (0, 0)),
            pl.BlockSpec((_ZCH, 1), lambda i: (0, 0)),
        ],
        out_specs=pl.BlockSpec((1, _ZCH, _HW), lambda i: (i, 0, 0)),
        out_shape=jax.ShapeDtypeStruct((b, _ZCH, _HW), jnp.float32),
    )(zq_flat3, post_w, post_b.reshape(_ZCH, 1))


def kernel(x, gn_scale, gn_bias, pre_w, codebook, post_w, post_b):
    b, c, h, w = x.shape
    hw = h * w
    x3 = x.reshape(b, c, hw)

    xg = x3.reshape(b, _NUM_GROUPS, _GSIZE, hw)
    mean = xg.mean(axis=(2, 3))
    d = jnp.sqrt(xg.var(axis=(2, 3)) + _EPS)
    mean_c = jnp.repeat(mean, _GSIZE, axis=1).reshape(b, c, 1)
    d_c = jnp.repeat(d, _GSIZE, axis=1).reshape(b, c, 1)

    cn2 = jnp.sum(codebook ** 2, axis=1).reshape(_VOCAB, 1)
    z3, tok3 = _encode(x3, mean_c, d_c, gn_scale, gn_bias, pre_w, codebook,
                       cn2)
    tokens_flat = tok3.reshape(b * hw)
    zq_flat = _make_sc_gather(b * hw)(codebook, tokens_flat)
    rec3 = _decode(zq_flat.reshape(b, hw, _EMBED), post_w, post_b)

    z = z3.reshape(b, _EMBED, h, w)
    z_q = jnp.transpose(zq_flat.reshape(b, hw, _EMBED), (0, 2, 1)).reshape(
        b, _EMBED, h, w)
    rec = rec3.reshape(b, c, h, w)
    tokens = tok3.reshape(b, hw)
    return (z, z_q, tokens, rec)

# --- scband reference (transcript-rebuilt; emitter-appended) ---
"""Pipeline reference for scband-tokenizer-29583734735474 (READ-ONLY COPY).

The authoritative reference and input builder live on the scoring server;
editing this copy changes nothing except your own understanding.
"""

import jax, jax.numpy as jnp
import numpy as np

VOCAB = 1024
EMBED = 256
ZCH = 384
NUM_GROUPS = 32
EPS = 1e-6


def group_norm(x, scale, bias):
    b, c, h, w = x.shape
    xg = x.reshape(b, NUM_GROUPS, c // NUM_GROUPS, h, w)
    mean = xg.mean(axis=(2, 3, 4), keepdims=True)
    var = xg.var(axis=(2, 3, 4), keepdims=True)
    xg = (xg - mean) / jnp.sqrt(var + EPS)
    x = xg.reshape(b, c, h, w)
    return x * scale[None, :, None, None] + bias[None, :, None, None]


def setup_inputs(seed: int = 0) -> dict:
    key = jax.random.key(seed)
    k1, k2, k3, k4, k5, k6 = jax.random.split(key, 6)
    x = jax.random.normal(k1, (8, ZCH, 32, 32), dtype=jnp.float32)
    gn_scale = jnp.ones((ZCH,), dtype=jnp.float32)
    gn_bias = jnp.zeros((ZCH,), dtype=jnp.float32)
    # pre_quant_conv: 1x1 conv ZCH -> EMBED, no bias (stored as [out, in])
    pre_w = jax.random.normal(k2, (EMBED, ZCH), dtype=jnp.float32) * (1.0 / np.sqrt(ZCH))
    # embedding table initialized uniform(-1/vocab, 1/vocab) as in the torch module
    codebook = jax.random.uniform(k3, (VOCAB, EMBED), dtype=jnp.float32, minval=-1.0 / VOCAB, maxval=1.0 / VOCAB)
    # post_quant_conv: 1x1 conv EMBED -> ZCH, with bias
    post_w = jax.random.normal(k4, (ZCH, EMBED), dtype=jnp.float32) * (1.0 / np.sqrt(EMBED))
    post_b = jax.random.normal(k5, (ZCH,), dtype=jnp.float32) * 0.01
    return {"x": x, "gn_scale": gn_scale, "gn_bias": gn_bias, "pre_w": pre_w,
            "codebook": codebook, "post_w": post_w, "post_b": post_b}


def reference(x, gn_scale, gn_bias, pre_w, codebook, post_w, post_b):
    # encode (encoder approximated as identity; x is the encoder latent)
    zn = group_norm(x, gn_scale, gn_bias)
    z = jnp.einsum('bchw,ec->behw', zn, pre_w)
    b, e, h, w = z.shape
    # rearrange 'b e h w -> (b h w) e'
    z_flat = jnp.transpose(z, (0, 2, 3, 1)).reshape(b * h * w, e)
    dist = (jnp.sum(z_flat ** 2, axis=1, keepdims=True)
            + jnp.sum(codebook ** 2, axis=1)
            - 2.0 * jnp.matmul(z_flat, codebook.T))
    tokens = jnp.argmin(dist, axis=-1)
    z_q_flat = jnp.take(codebook, tokens, axis=0)
    # rearrange '(b h w) e -> b e h w'
    z_q = jnp.transpose(z_q_flat.reshape(b, h, w, e), (0, 3, 1, 2))
    # straight-through estimator
    decoder_input = z + jax.lax.stop_gradient(z_q - z)
    # decode (post_quant 1x1 conv; decoder approximated as identity)
    rec = jnp.einsum('behw,ce->bchw', decoder_input, post_w) + post_b[None, :, None, None]
    tokens = tokens.reshape(b, h * w)
    return (z, z_q, tokens, rec)


if False:  # reference __main__ guard neutralized (emitter)
    out = reference(**setup_inputs())
    print([o.shape for o in out])

if __name__ == "__main__":
    import jax
    _d = setup_inputs()
    print(jax.jit(kernel)(*tuple(_d.values())))

</pallas_src>

<mosaic_0001>
#map = affine_map<(d0, d1) -> (0, 0)>
#map1 = affine_map<(d0, d1) -> (0)>
module attributes {stable_mosaic.version = 14 : i64} {
  func.func @gather(%arg0: i32, %arg1: i32, %arg2: memref<1024x256xf32, #tpu.memory_space<hbm>>, %arg3: memref<8192xi32, #tpu.memory_space<hbm>>, %arg4: memref<8192x256xf32, #tpu.memory_space<hbm>>, %arg5: memref<256xi32, #tpu.memory_space<vmem>>, %arg6: memref<64x256xf32, #tpu.memory_space<vmem>>, %arg7: memref<64x256xf32, #tpu.memory_space<vmem>>, %arg8: memref<64x256xf32, #tpu.memory_space<vmem>>, %arg9: memref<64x256xf32, #tpu.memory_space<vmem>>, %arg10: memref<!tpu.dma_semaphore, #tpu.memory_space<semaphore_mem>>, %arg11: memref<!tpu.dma_semaphore, #tpu.memory_space<semaphore_mem>>, %arg12: memref<!tpu.dma_semaphore, #tpu.memory_space<semaphore_mem>>, %arg13: memref<!tpu.dma_semaphore, #tpu.memory_space<semaphore_mem>>, %arg14: memref<!tpu.dma_semaphore, #tpu.memory_space<semaphore_mem>>, %arg15: memref<!tpu.dma_semaphore, #tpu.memory_space<semaphore_mem>>, %arg16: memref<!tpu.dma_semaphore, #tpu.memory_space<semaphore_mem>>, %arg17: memref<!tpu.dma_semaphore, #tpu.memory_space<semaphore_mem>>) attributes {dimension_semantics = [#tpu.dimension_semantics<core_parallel>, #tpu.dimension_semantics<subcore_parallel>], iteration_bounds = array<i64: 2, 16>, scalar_prefetch = 0 : i64, scratch_operands = 13 : i64, tpu.core_type = #tpu.core_type<sc_vector_subcore>, window_params = [{transform_indices = #map}, {transform_indices = #map1}, {transform_indices = #map}]} {
    %mul3A = arith.constant 2 : i32
    %mul3A_0 = arith.muli %arg1, %mul3A : i32
    %add3A = arith.addi %mul3A_0, %arg0 : i32
    %mul3A_1 = arith.constant 256 : i32
    %mul3A_2 = arith.muli %add3A, %mul3A_1 : i32
    "tpu.region"() ({
      %run_scoped3A = tpu.sem_alloc : memref<!tpu.dma_semaphore, #tpu.memory_space<semaphore_mem>>
      %dma_start3A_81 = tpu.memref_slice %arg3[%mul3A_2] : memref<8192xi32, #tpu.memory_space<hbm>> -> memref<256xi32, #tpu.memory_space<hbm>>
      %dma_start3A_82 = tpu.memref_slice %arg3[%mul3A_2] : memref<8192xi32, #tpu.memory_space<hbm>> -> memref<256xi32, #tpu.memory_space<hbm>>
      tpu.enqueue_dma source(%dma_start3A_82 : memref<256xi32, #tpu.memory_space<hbm>>) target(%arg5 : memref<256xi32, #tpu.memory_space<vmem>>) target_semaphore(%run_scoped3A : memref<!tpu.dma_semaphore, #tpu.memory_space<semaphore_mem>>)
      %dma_wait3A_83 = tpu.memref_slice %arg3[%mul3A_2] : memref<8192xi32, #tpu.memory_space<hbm>> -> memref<256xi32, #tpu.memory_space<hbm>>
      %dma_wait3A_84 = tpu.memref_slice %arg3[%mul3A_2] : memref<8192xi32, #tpu.memory_space<hbm>> -> memref<256xi32, #tpu.memory_space<hbm>>
      tpu.wait_dma2 semaphore(%run_scoped3A : memref<!tpu.dma_semaphore, #tpu.memory_space<semaphore_mem>>) src(%dma_wait3A_84 : memref<256xi32, #tpu.memory_space<hbm>>) dst(%arg5 : memref<256xi32, #tpu.memory_space<vmem>>)
      tpu.yield
    }) : () -> ()
    %dma_start3A = arith.constant 0 : i32
    %dma_start3A_3 = tpu.memref_slice %arg5[%dma_start3A] : memref<256xi32, #tpu.memory_space<vmem>> -> memref<64xi32, #tpu.memory_space<vmem>>
    %dma_start3A_4 = arith.constant 0 : i32
    %dma_start3A_5 = arith.constant 0 : i32
    %dma_start3A_6 = tpu.memref_slice %arg2[%dma_start3A_4, %dma_start3A_5] : memref<1024x256xf32, #tpu.memory_space<hbm>> -> memref<1024x256xf32, #tpu.memory_space<hbm>>
    tpu.enqueue_indirect_dma source(%dma_start3A_6 : memref<1024x256xf32, #tpu.memory_space<hbm>>) target(%arg6 : memref<64x256xf32, #tpu.memory_space<vmem>>) offsets(%dma_start3A_3 : memref<64xi32, #tpu.memory_space<vmem>>) semaphore(%arg10 : memref<!tpu.dma_semaphore, #tpu.memory_space<semaphore_mem>>)
    %dma_start3A_7 = arith.constant 64 : i32
    %dma_start3A_8 = tpu.memref_slice %arg5[%dma_start3A_7] : memref<256xi32, #tpu.memory_space<vmem>> -> memref<64xi32, #tpu.memory_space<vmem>>
    %dma_start3A_9 = arith.constant 0 : i32
    %dma_start3A_10 = arith.constant 0 : i32
    %dma_start3A_11 = tpu.memref_slice %arg2[%dma_start3A_9, %dma_start3A_10] : memref<1024x256xf32, #tpu.memory_space<hbm>> -> memref<1024x256xf32, #tpu.memory_space<hbm>>
    tpu.enqueue_indirect_dma source(%dma_start3A_11 : memref<1024x256xf32, #tpu.memory_space<hbm>>) target(%arg7 : memref<64x256xf32, #tpu.memory_space<vmem>>) offsets(%dma_start3A_8 : memref<64xi32, #tpu.memory_space<vmem>>) semaphore(%arg11 : memref<!tpu.dma_semaphore, #tpu.memory_space<semaphore_mem>>)
    %dma_start3A_12 = arith.constant 128 : i32
    %dma_start3A_13 = tpu.memref_slice %arg5[%dma_start3A_12] : memref<256xi32, #tpu.memory_space<vmem>> -> memref<64xi32, #tpu.memory_space<vmem>>
    %dma_start3A_14 = arith.constant 0 : i32
    %dma_start3A_15 = arith.constant 0 : i32
    %dma_start3A_16 = tpu.memref_slice %arg2[%dma_start3A_14, %dma_start3A_15] : memref<1024x256xf32, #tpu.memory_space<hbm>> -> memref<1024x256xf32, #tpu.memory_space<hbm>>
    tpu.enqueue_indirect_dma source(%dma_start3A_16 : memref<1024x256xf32, #tpu.memory_space<hbm>>) target(%arg8 : memref<64x256xf32, #tpu.memory_space<vmem>>) offsets(%dma_start3A_13 : memref<64xi32, #tpu.memory_space<vmem>>) semaphore(%arg12 : memref<!tpu.dma_semaphore, #tpu.memory_space<semaphore_mem>>)
    %dma_start3A_17 = arith.constant 192 : i32
    %dma_start3A_18 = tpu.memref_slice %arg5[%dma_start3A_17] : memref<256xi32, #tpu.memory_space<vmem>> -> memref<64xi32, #tpu.memory_space<vmem>>
    %dma_start3A_19 = arith.constant 0 : i32
    %dma_start3A_20 = arith.constant 0 : i32
    %dma_start3A_21 = tpu.memref_slice %arg2[%dma_start3A_19, %dma_start3A_20] : memref<1024x256xf32, #tpu.memory_space<hbm>> -> memref<1024x256xf32, #tpu.memory_space<hbm>>
    tpu.enqueue_indirect_dma source(%dma_start3A_21 : memref<1024x256xf32, #tpu.memory_space<hbm>>) target(%arg9 : memref<64x256xf32, #tpu.memory_space<vmem>>) offsets(%dma_start3A_18 : memref<64xi32, #tpu.memory_space<vmem>>) semaphore(%arg13 : memref<!tpu.dma_semaphore, #tpu.memory_space<semaphore_mem>>)
    %dma_wait3A = arith.constant 0 : i32
    %dma_wait3A_22 = tpu.memref_slice %arg5[%dma_wait3A] : memref<256xi32, #tpu.memory_space<vmem>> -> memref<64xi32, #tpu.memory_space<vmem>>
    %dma_wait3A_23 = arith.constant 0 : i32
    %dma_wait3A_24 = arith.constant 0 : i32
    %dma_wait3A_25 = tpu.memref_slice %arg2[%dma_wait3A_23, %dma_wait3A_24] : memref<1024x256xf32, #tpu.memory_space<hbm>> -> memref<1024x256xf32, #tpu.memory_space<hbm>>
    tpu.wait_indirect_dma semaphore(%arg10 : memref<!tpu.dma_semaphore, #tpu.memory_space<semaphore_mem>>) src(%dma_wait3A_25 : memref<1024x256xf32, #tpu.memory_space<hbm>>) dst(%arg6 : memref<64x256xf32, #tpu.memory_space<vmem>>)
    %add3A_26 = arith.constant 0 : i32
    %add3A_27 = arith.addi %mul3A_2, %add3A_26 : i32
    %dma_start3A_28 = arith.constant 0 : i32
    %dma_start3A_29 = tpu.memref_slice %arg4[%add3A_27, %dma_start3A_28] : memref<8192x256xf32, #tpu.memory_space<hbm>> -> memref<64x256xf32, #tpu.memory_space<hbm>>
    %dma_start3A_30 = arith.constant 0 : i32
    %dma_start3A_31 = tpu.memref_slice %arg4[%add3A_27, %dma_start3A_30] : memref<8192x256xf32, #tpu.memory_space<hbm>> -> memref<64x256xf32, #tpu.memory_space<hbm>>
    tpu.enqueue_dma source(%arg6 : memref<64x256xf32, #tpu.memory_space<vmem>>) target(%dma_start3A_31 : memref<64x256xf32, #tpu.memory_space<hbm>>) target_semaphore(%arg14 : memref<!tpu.dma_semaphore, #tpu.memory_space<semaphore_mem>>)
    %dma_wait3A_32 = arith.constant 64 : i32
    %dma_wait3A_33 = tpu.memref_slice %arg5[%dma_wait3A_32] : memref<256xi32, #tpu.memory_space<vmem>> -> memref<64xi32, #tpu.memory_space<vmem>>
    %dma_wait3A_34 = arith.constant 0 : i32
    %dma_wait3A_35 = arith.constant 0 : i32
    %dma_wait3A_36 = tpu.memref_slice %arg2[%dma_wait3A_34, %dma_wait3A_35] : memref<1024x256xf32, #tpu.memory_space<hbm>> -> memref<1024x256xf32, #tpu.memory_space<hbm>>
    tpu.wait_indirect_dma semaphore(%arg11 : memref<!tpu.dma_semaphore, #tpu.memory_space<semaphore_mem>>) src(%dma_wait3A_36 : memref<1024x256xf32, #tpu.memory_space<hbm>>) dst(%arg7 : memref<64x256xf32, #tpu.memory_space<vmem>>)
    %add3A_37 = arith.constant 64 : i32
    %add3A_38 = arith.addi %mul3A_2, %add3A_37 : i32
    %dma_start3A_39 = arith.constant 0 : i32
    %dma_start3A_40 = tpu.memref_slice %arg4[%add3A_38, %dma_start3A_39] : memref<8192x256xf32, #tpu.memory_space<hbm>> -> memref<64x256xf32, #tpu.memory_space<hbm>>
    %dma_start3A_41 = arith.constant 0 : i32
    %dma_start3A_42 = tpu.memref_slice %arg4[%add3A_38, %dma_start3A_41] : memref<8192x256xf32, #tpu.memory_space<hbm>> -> memref<64x256xf32, #tpu.memory_space<hbm>>
    tpu.enqueue_dma source(%arg7 : memref<64x256xf32, #tpu.memory_space<vmem>>) target(%dma_start3A_42 : memref<64x256xf32, #tpu.memory_space<hbm>>) target_semaphore(%arg15 : memref<!tpu.dma_semaphore, #tpu.memory_space<semaphore_mem>>)
    %dma_wait3A_43 = arith.constant 128 : i32
    %dma_wait3A_44 = tpu.memref_slice %arg5[%dma_wait3A_43] : memref<256xi32, #tpu.memory_space<vmem>> -> memref<64xi32, #tpu.memory_space<vmem>>
    %dma_wait3A_45 = arith.constant 0 : i32
    %dma_wait3A_46 = arith.constant 0 : i32
    %dma_wait3A_47 = tpu.memref_slice %arg2[%dma_wait3A_45, %dma_wait3A_46] : memref<1024x256xf32, #tpu.memory_space<hbm>> -> memref<1024x256xf32, #tpu.memory_space<hbm>>
    tpu.wait_indirect_dma semaphore(%arg12 : memref<!tpu.dma_semaphore, #tpu.memory_space<semaphore_mem>>) src(%dma_wait3A_47 : memref<1024x256xf32, #tpu.memory_space<hbm>>) dst(%arg8 : memref<64x256xf32, #tpu.memory_space<vmem>>)
    %add3A_48 = arith.constant 128 : i32
    %add3A_49 = arith.addi %mul3A_2, %add3A_48 : i32
    %dma_start3A_50 = arith.constant 0 : i32
    %dma_start3A_51 = tpu.memref_slice %arg4[%add3A_49, %dma_start3A_50] : memref<8192x256xf32, #tpu.memory_space<hbm>> -> memref<64x256xf32, #tpu.memory_space<hbm>>
    %dma_start3A_52 = arith.constant 0 : i32
    %dma_start3A_53 = tpu.memref_slice %arg4[%add3A_49, %dma_start3A_52] : memref<8192x256xf32, #tpu.memory_space<hbm>> -> memref<64x256xf32, #tpu.memory_space<hbm>>
    tpu.enqueue_dma source(%arg8 : memref<64x256xf32, #tpu.memory_space<vmem>>) target(%dma_start3A_53 : memref<64x256xf32, #tpu.memory_space<hbm>>) target_semaphore(%arg16 : memref<!tpu.dma_semaphore, #tpu.memory_space<semaphore_mem>>)
    %dma_wait3A_54 = arith.constant 192 : i32
    %dma_wait3A_55 = tpu.memref_slice %arg5[%dma_wait3A_54] : memref<256xi32, #tpu.memory_space<vmem>> -> memref<64xi32, #tpu.memory_space<vmem>>
    %dma_wait3A_56 = arith.constant 0 : i32
    %dma_wait3A_57 = arith.constant 0 : i32
    %dma_wait3A_58 = tpu.memref_slice %arg2[%dma_wait3A_56, %dma_wait3A_57] : memref<1024x256xf32, #tpu.memory_space<hbm>> -> memref<1024x256xf32, #tpu.memory_space<hbm>>
    tpu.wait_indirect_dma semaphore(%arg13 : memref<!tpu.dma_semaphore, #tpu.memory_space<semaphore_mem>>) src(%dma_wait3A_58 : memref<1024x256xf32, #tpu.memory_space<hbm>>) dst(%arg9 : memref<64x256xf32, #tpu.memory_space<vmem>>)
    %add3A_59 = arith.constant 192 : i32
    %add3A_60 = arith.addi %mul3A_2, %add3A_59 : i32
    %dma_start3A_61 = arith.constant 0 : i32
    %dma_start3A_62 = tpu.memref_slice %arg4[%add3A_60, %dma_start3A_61] : memref<8192x256xf32, #tpu.memory_space<hbm>> -> memref<64x256xf32, #tpu.memory_space<hbm>>
    %dma_start3A_63 = arith.constant 0 : i32
    %dma_start3A_64 = tpu.memref_slice %arg4[%add3A_60, %dma_start3A_63] : memref<8192x256xf32, #tpu.memory_space<hbm>> -> memref<64x256xf32, #tpu.memory_space<hbm>>
    tpu.enqueue_dma source(%arg9 : memref<64x256xf32, #tpu.memory_space<vmem>>) target(%dma_start3A_64 : memref<64x256xf32, #tpu.memory_space<hbm>>) target_semaphore(%arg17 : memref<!tpu.dma_semaphore, #tpu.memory_space<semaphore_mem>>)
    %dma_wait3A_65 = arith.constant 0 : i32
    %dma_wait3A_66 = tpu.memref_slice %arg4[%add3A_27, %dma_wait3A_65] : memref<8192x256xf32, #tpu.memory_space<hbm>> -> memref<64x256xf32, #tpu.memory_space<hbm>>
    %dma_wait3A_67 = arith.constant 0 : i32
    %dma_wait3A_68 = tpu.memref_slice %arg4[%add3A_27, %dma_wait3A_67] : memref<8192x256xf32, #tpu.memory_space<hbm>> -> memref<64x256xf32, #tpu.memory_space<hbm>>
    tpu.wait_dma2 semaphore(%arg14 : memref<!tpu.dma_semaphore, #tpu.memory_space<semaphore_mem>>) src(%arg6 : memref<64x256xf32, #tpu.memory_space<vmem>>) dst(%dma_wait3A_68 : memref<64x256xf32, #tpu.memory_space<hbm>>)
    %dma_wait3A_69 = arith.constant 0 : i32
    %dma_wait3A_70 = tpu.memref_slice %arg4[%add3A_38, %dma_wait3A_69] : memref<8192x256xf32, #tpu.memory_space<hbm>> -> memref<64x256xf32, #tpu.memory_space<hbm>>
    %dma_wait3A_71 = arith.constant 0 : i32
    %dma_wait3A_72 = tpu.memref_slice %arg4[%add3A_38, %dma_wait3A_71] : memref<8192x256xf32, #tpu.memory_space<hbm>> -> memref<64x256xf32, #tpu.memory_space<hbm>>
    tpu.wait_dma2 semaphore(%arg15 : memref<!tpu.dma_semaphore, #tpu.memory_space<semaphore_mem>>) src(%arg7 : memref<64x256xf32, #tpu.memory_space<vmem>>) dst(%dma_wait3A_72 : memref<64x256xf32, #tpu.memory_space<hbm>>)
    %dma_wait3A_73 = arith.constant 0 : i32
    %dma_wait3A_74 = tpu.memref_slice %arg4[%add3A_49, %dma_wait3A_73] : memref<8192x256xf32, #tpu.memory_space<hbm>> -> memref<64x256xf32, #tpu.memory_space<hbm>>
    %dma_wait3A_75 = arith.constant 0 : i32
    %dma_wait3A_76 = tpu.memref_slice %arg4[%add3A_49, %dma_wait3A_75] : memref<8192x256xf32, #tpu.memory_space<hbm>> -> memref<64x256xf32, #tpu.memory_space<hbm>>
    tpu.wait_dma2 semaphore(%arg16 : memref<!tpu.dma_semaphore, #tpu.memory_space<semaphore_mem>>) src(%arg8 : memref<64x256xf32, #tpu.memory_space<vmem>>) dst(%dma_wait3A_76 : memref<64x256xf32, #tpu.memory_space<hbm>>)
    %dma_wait3A_77 = arith.constant 0 : i32
    %dma_wait3A_78 = tpu.memref_slice %arg4[%add3A_60, %dma_wait3A_77] : memref<8192x256xf32, #tpu.memory_space<hbm>> -> memref<64x256xf32, #tpu.memory_space<hbm>>
    %dma_wait3A_79 = arith.constant 0 : i32
    %dma_wait3A_80 = tpu.memref_slice %arg4[%add3A_60, %dma_wait3A_79] : memref<8192x256xf32, #tpu.memory_space<hbm>> -> memref<64x256xf32, #tpu.memory_space<hbm>>
    tpu.wait_dma2 semaphore(%arg17 : memref<!tpu.dma_semaphore, #tpu.memory_space<semaphore_mem>>) src(%arg9 : memref<64x256xf32, #tpu.memory_space<vmem>>) dst(%dma_wait3A_80 : memref<64x256xf32, #tpu.memory_space<hbm>>)
    return
  }
}

module attributes {stable_mosaic.version = 14 : i64} {
  func.func @_encode_body(%arg0: i32, %arg1: memref<1x384x1024xf32, #tpu.memory_space<vmem>>, %arg2: memref<1x384x1xf32, #tpu.memory_space<vmem>>, %arg3: memref<1x384x1xf32, #tpu.memory_space<vmem>>, %arg4: memref<384x1xf32, #tpu.memory_space<vmem>>, %arg5: memref<384x1xf32, #tpu.memory_space<vmem>>, %arg6: memref<256x384xf32, #tpu.memory_space<vmem>>, %arg7: memref<1024x256xf32, #tpu.memory_space<vmem>>, %arg8: memref<1024x1xf32, #tpu.memory_space<vmem>>, %arg9: memref<1x256x1024xf32, #tpu.memory_space<vmem>>, %arg10: memref<1x1x1024xi32, #tpu.memory_space<vmem>>) attributes {dimension_semantics = [#tpu.dimension_semantics<arbitrary>], iteration_bounds = array<i64: 8>, scalar_prefetch = 0 : i64, scratch_operands = 0 : i64, tpu.core_type = #tpu.core_type<tc>, window_params = [{transform_indices = @transform_0, window_bounds = array<i64: 1, 384, 1024>}, {transform_indices = @transform_1, window_bounds = array<i64: 1, 384, 1>}, {transform_indices = @transform_2, window_bounds = array<i64: 1, 384, 1>}, {pipeline_mode = #tpu.pipeline_mode<synchronous>, transform_indices = @transform_3, window_bounds = array<i64: 384, 1>}, {pipeline_mode = #tpu.pipeline_mode<synchronous>, transform_indices = @transform_4, window_bounds = array<i64: 384, 1>}, {pipeline_mode = #tpu.pipeline_mode<synchronous>, transform_indices = @transform_5, window_bounds = array<i64: 256, 384>}, {pipeline_mode = #tpu.pipeline_mode<synchronous>, transform_indices = @transform_6, window_bounds = array<i64: 1024, 256>}, {pipeline_mode = #tpu.pipeline_mode<synchronous>, transform_indices = @transform_7, window_bounds = array<i64: 1024, 1>}, {transform_indices = @transform_8, window_bounds = array<i64: 1, 256, 1024>}, {transform_indices = @transform_9, window_bounds = array<i64: 1, 1, 1024>}]} {
    %get3A = arith.constant 0 : index
    %get3A_0 = arith.constant 0 : index
    %get3A_1 = arith.constant 0 : index
    %get3A_2 = vector.load %arg1[%get3A, %get3A_0, %get3A_1] : memref<1x384x1024xf32, #tpu.memory_space<vmem>>, vector<1x384x1024xf32>
    %get3A_3 = vector.shape_cast %get3A_2 : vector<1x384x1024xf32> to vector<384x1024xf32>
    %get3A_4 = arith.constant 0 : index
    %get3A_5 = arith.constant 0 : index
    %get3A_6 = arith.constant 0 : index
    %get3A_7 = vector.load %arg2[%get3A_4, %get3A_5, %get3A_6] : memref<1x384x1xf32, #tpu.memory_space<vmem>>, vector<1x384x1xf32>
    %get3A_8 = vector.shape_cast %get3A_7 : vector<1x384x1xf32> to vector<384x1xf32>
    %sub3A = vector.broadcast %get3A_8 : vector<384x1xf32> to vector<384x1024xf32>
    %sub3A_9 = arith.subf %get3A_3, %sub3A : vector<384x1024xf32>
    %get3A_10 = arith.constant 0 : index
    %get3A_11 = arith.constant 0 : index
    %get3A_12 = arith.constant 0 : index
    %get3A_13 = vector.load %arg3[%get3A_10, %get3A_11, %get3A_12] : memref<1x384x1xf32, #tpu.memory_space<vmem>>, vector<1x384x1xf32>
    %get3A_14 = vector.shape_cast %get3A_13 : vector<1x384x1xf32> to vector<384x1xf32>
    %div3A = vector.broadcast %get3A_14 : vector<384x1xf32> to vector<384x1024xf32>
    %div3A_15 = arith.divf %sub3A_9, %div3A : vector<384x1024xf32>
    %get3A_16 = arith.constant 0 : index
    %get3A_17 = arith.constant 0 : index
    %get3A_18 = vector.load %arg4[%get3A_16, %get3A_17] : memref<384x1xf32, #tpu.memory_space<vmem>>, vector<384x1xf32>
    %mul3A = vector.broadcast %get3A_18 : vector<384x1xf32> to vector<384x1024xf32>
    %mul3A_19 = arith.mulf %div3A_15, %mul3A : vector<384x1024xf32>
    %get3A_20 = arith.constant 0 : index
    %get3A_21 = arith.constant 0 : index
    %get3A_22 = vector.load %arg5[%get3A_20, %get3A_21] : memref<384x1xf32, #tpu.memory_space<vmem>>, vector<384x1xf32>
    %add3A = vector.broadcast %get3A_22 : vector<384x1xf32> to vector<384x1024xf32>
    %add3A_23 = arith.addf %mul3A_19, %add3A : vector<384x1024xf32>
    %get3A_24 = arith.constant 0 : index
    %get3A_25 = arith.constant 0 : index
    %get3A_26 = vector.load %arg6[%get3A_24, %get3A_25] : memref<256x384xf32, #tpu.memory_space<vmem>>, vector<256x384xf32>
    %dot_general3A = arith.constant dense<0.000000e+00> : vector<256x1024xf32>
    %dot_general3A_27 = tpu.matmul %get3A_26, %add3A_23, %dot_general3A {dimension_numbers = #tpu.dot_dimension_numbers<[1], [0], [0], [1], [0, 0, 1, 1], [], []>, transpose_lhs_hint = false} : vector<256x384xf32>, vector<384x1024xf32>, vector<256x1024xf32> -> vector<256x1024xf32>
    %swap3A = arith.constant 0 : index
    %swap3A_28 = arith.constant 0 : index
    %swap3A_29 = arith.constant 0 : index
    %swap3A_30 = vector.load %arg9[%swap3A, %swap3A_28, %swap3A_29] : memref<1x256x1024xf32, #tpu.memory_space<vmem>>, vector<1x256x1024xf32>
    %swap3A_31 = vector.shape_cast %swap3A_30 : vector<1x256x1024xf32> to vector<256x1024xf32>
    %swap3A_32 = vector.shape_cast %dot_general3A_27 : vector<256x1024xf32> to vector<1x256x1024xf32>
    tpu.vector_store %arg9[%swap3A, %swap3A_28, %swap3A_29], %swap3A_32 {strides = array<i32>} : memref<1x256x1024xf32, #tpu.memory_space<vmem>>, vector<1x256x1024xf32>,
    %get3A_33 = arith.constant 0 : index
    %get3A_34 = arith.constant 0 : index
    %get3A_35 = vector.load %arg7[%get3A_33, %get3A_34] : memref<1024x256xf32, #tpu.memory_space<vmem>>, vector<1024x256xf32>
    %mul3A_36 = arith.mulf %dot_general3A_27, %dot_general3A_27 : vector<256x1024xf32>
    %reduce_sum3A = arith.constant dense<0.000000e+00> : vector<1024xf32>
    %reduce_sum3A_37 = vector.multi_reduction <add>, %mul3A_36, %reduce_sum3A [0] : vector<256x1024xf32> to vector<1024xf32>
    %broadcast_in_dim3A = vector.shape_cast %reduce_sum3A_37 : vector<1024xf32> to vector<1x1024xf32>
    %dot_general3A_38 = arith.constant dense<0.000000e+00> : vector<1024x1024xf32>
    %dot_general3A_39 = tpu.matmul %get3A_35, %dot_general3A_27, %dot_general3A_38 {dimension_numbers = #tpu.dot_dimension_numbers<[1], [0], [0], [1], [0, 0, 1, 1], [], []>, transpose_lhs_hint = false} : vector<1024x256xf32>, vector<256x1024xf32>, vector<1024x1024xf32> -> vector<1024x1024xf32>
    %get3A_40 = arith.constant 0 : index
    %get3A_41 = arith.constant 0 : index
    %get3A_42 = vector.load %arg8[%get3A_40, %get3A_41] : memref<1024x1xf32, #tpu.memory_space<vmem>>, vector<1024x1xf32>
    %add3A_43 = vector.broadcast %broadcast_in_dim3A : vector<1x1024xf32> to vector<1024x1024xf32>
    %add3A_44 = vector.broadcast %get3A_42 : vector<1024x1xf32> to vector<1024x1024xf32>
    %add3A_45 = arith.addf %add3A_43, %add3A_44 : vector<1024x1024xf32>
    %mul3A_46 = arith.constant 2.000000e+00 : f32
    %mul3A_47 = vector.broadcast %mul3A_46 : f32 to vector<1024x1024xf32>
    %mul3A_48 = arith.mulf %mul3A_47, %dot_general3A_39 : vector<1024x1024xf32>
    %sub3A_49 = arith.subf %add3A_45, %mul3A_48 : vector<1024x1024xf32>
    %reduce_min3A = arith.constant dense<0x7F800000> : vector<1024xf32>
    %reduce_min3A_50 = vector.multi_reduction <minimumf>, %sub3A_49, %reduce_min3A [0] : vector<1024x1024xf32> to vector<1024xf32>
    %broadcast_in_dim3A_51 = vector.shape_cast %reduce_min3A_50 : vector<1024xf32> to vector<1x1024xf32>
    %iota3A = tpu.iota {dimensions = array<i32: 0>} : vector<1024x1024xi32>
    %eq3A = vector.broadcast %broadcast_in_dim3A_51 : vector<1x1024xf32> to vector<1024x1024xf32>
    %eq3A_52 = arith.cmpf oeq, %sub3A_49, %eq3A : vector<1024x1024xf32>
    %jit3A = arith.constant 1024 : i32
    %broadcast_in_dim3A_53 = vector.broadcast %jit3A : i32 to vector<1024x1024xi32>
    %select_n3A = arith.select %eq3A_52, %iota3A, %broadcast_in_dim3A_53 : vector<1024x1024xi1>, vector<1024x1024xi32>
    %reduce_min3A_54 = arith.constant dense<2147483647> : vector<1024xi32>
    %reduce_min3A_55 = vector.multi_reduction <minsi>, %select_n3A, %reduce_min3A_54 [0] : vector<1024x1024xi32> to vector<1024xi32>
    %swap3A_56 = arith.constant 0 : index
    %swap3A_57 = arith.constant 0 : index
    %swap3A_58 = arith.constant 0 : index
    %swap3A_59 = vector.load %arg10[%swap3A_56, %swap3A_57, %swap3A_58] : memref<1x1x1024xi32, #tpu.memory_space<vmem>>, vector<1x1x1024xi32>
    %swap3A_60 = vector.shape_cast %swap3A_59 : vector<1x1x1024xi32> to vector<1024xi32>
    %swap3A_61 = vector.shape_cast %reduce_min3A_55 : vector<1024xi32> to vector<1x1x1024xi32>
    tpu.vector_store %arg10[%swap3A_56, %swap3A_57, %swap3A_58], %swap3A_61 {strides = array<i32>} : memref<1x1x1024xi32, #tpu.memory_space<vmem>>, vector<1x1x1024xi32>,
    return
  }
  func.func @transform_0(%arg0: i32) -> (i32, i32, i32) {
    %c0_i32 = arith.constant 0 : i32
    %c0_i32_0 = arith.constant 0 : i32
    %c0_i32_1 = arith.constant 0 : i32
    return %arg0, %c0_i32, %c0_i32_0 : i32, i32, i32
  }
  func.func @transform_1(%arg0: i32) -> (i32, i32, i32) {
    %c0_i32 = arith.constant 0 : i32
    %c0_i32_0 = arith.constant 0 : i32
    %c0_i32_1 = arith.constant 0 : i32
    return %arg0, %c0_i32, %c0_i32_0 : i32, i32, i32
  }
  func.func @transform_2(%arg0: i32) -> (i32, i32, i32) {
    %c0_i32 = arith.constant 0 : i32
    %c0_i32_0 = arith.constant 0 : i32
    %c0_i32_1 = arith.constant 0 : i32
    return %arg0, %c0_i32, %c0_i32_0 : i32, i32, i32
  }
  func.func @transform_3(%arg0: i32) -> (i32, i32) {
    %c0_i32 = arith.constant 0 : i32
    %c0_i32_0 = arith.constant 0 : i32
    %c0_i32_1 = arith.constant 0 : i32
    return %c0_i32, %c0_i32_0 : i32, i32
  }
  func.func @transform_4(%arg0: i32) -> (i32, i32) {
    %c0_i32 = arith.constant 0 : i32
    %c0_i32_0 = arith.constant 0 : i32
    %c0_i32_1 = arith.constant 0 : i32
    return %c0_i32, %c0_i32_0 : i32, i32
  }
  func.func @transform_5(%arg0: i32) -> (i32, i32) {
    %c0_i32 = arith.constant 0 : i32
    %c0_i32_0 = arith.constant 0 : i32
    %c0_i32_1 = arith.constant 0 : i32
    return %c0_i32, %c0_i32_0 : i32, i32
  }
  func.func @transform_6(%arg0: i32) -> (i32, i32) {
    %c0_i32 = arith.constant 0 : i32
    %c0_i32_0 = arith.constant 0 : i32
    %c0_i32_1 = arith.constant 0 : i32
    return %c0_i32, %c0_i32_0 : i32, i32
  }
  func.func @transform_7(%arg0: i32) -> (i32, i32) {
    %c0_i32 = arith.constant 0 : i32
    %c0_i32_0 = arith.constant 0 : i32
    %c0_i32_1 = arith.constant 0 : i32
    return %c0_i32, %c0_i32_0 : i32, i32
  }
  func.func @transform_8(%arg0: i32) -> (i32, i32, i32) {
    %c0_i32 = arith.constant 0 : i32
    %c0_i32_0 = arith.constant 0 : i32
    %c0_i32_1 = arith.constant 0 : i32
    return %arg0, %c0_i32, %c0_i32_0 : i32, i32, i32
  }
  func.func @transform_9(%arg0: i32) -> (i32, i32, i32) {
    %c0_i32 = arith.constant 0 : i32
    %c0_i32_0 = arith.constant 0 : i32
    %c0_i32_1 = arith.constant 0 : i32
    return %arg0, %c0_i32, %c0_i32_0 : i32, i32, i32
  }
}

module attributes {stable_mosaic.version = 14 : i64} {
  func.func @_decode_body(%arg0: i32, %arg1: memref<1x1024x256xf32, #tpu.memory_space<vmem>>, %arg2: memref<384x256xf32, #tpu.memory_space<vmem>>, %arg3: memref<384x1xf32, #tpu.memory_space<vmem>>, %arg4: memref<1x384x1024xf32, #tpu.memory_space<vmem>>) attributes {dimension_semantics = [#tpu.dimension_semantics<arbitrary>], iteration_bounds = array<i64: 8>, scalar_prefetch = 0 : i64, scratch_operands = 0 : i64, tpu.core_type = #tpu.core_type<tc>, window_params = [{transform_indices = @transform_0, window_bounds = array<i64: 1, 1024, 256>}, {pipeline_mode = #tpu.pipeline_mode<synchronous>, transform_indices = @transform_1, window_bounds = array<i64: 384, 256>}, {pipeline_mode = #tpu.pipeline_mode<synchronous>, transform_indices = @transform_2, window_bounds = array<i64: 384, 1>}, {transform_indices = @transform_3, window_bounds = array<i64: 1, 384, 1024>}]} {
    %get3A = arith.constant 0 : index
    %get3A_0 = arith.constant 0 : index
    %get3A_1 = arith.constant 0 : index
    %get3A_2 = vector.load %arg1[%get3A, %get3A_0, %get3A_1] : memref<1x1024x256xf32, #tpu.memory_space<vmem>>, vector<1x1024x256xf32>
    %get3A_3 = vector.shape_cast %get3A_2 : vector<1x1024x256xf32> to vector<1024x256xf32>
    %get3A_4 = arith.constant 0 : index
    %get3A_5 = arith.constant 0 : index
    %get3A_6 = vector.load %arg2[%get3A_4, %get3A_5] : memref<384x256xf32, #tpu.memory_space<vmem>>, vector<384x256xf32>
    %dot_general3A = arith.constant dense<0.000000e+00> : vector<384x1024xf32>
    %dot_general3A_7 = tpu.matmul %get3A_6, %get3A_3, %dot_general3A {dimension_numbers = #tpu.dot_dimension_numbers<[1], [1], [0], [0], [0, 0, 1, 0], [], []>, transpose_lhs_hint = false} : vector<384x256xf32>, vector<1024x256xf32>, vector<384x1024xf32> -> vector<384x1024xf32>
    %get3A_8 = arith.constant 0 : index
    %get3A_9 = arith.constant 0 : index
    %get3A_10 = vector.load %arg3[%get3A_8, %get3A_9] : memref<384x1xf32, #tpu.memory_space<vmem>>, vector<384x1xf32>
    %add3A = vector.broadcast %get3A_10 : vector<384x1xf32> to vector<384x1024xf32>
    %add3A_11 = arith.addf %dot_general3A_7, %add3A : vector<384x1024xf32>
    %swap3A = arith.constant 0 : index
    %swap3A_12 = arith.constant 0 : index
    %swap3A_13 = arith.constant 0 : index
    %swap3A_14 = vector.load %arg4[%swap3A, %swap3A_12, %swap3A_13] : memref<1x384x1024xf32, #tpu.memory_space<vmem>>, vector<1x384x1024xf32>
    %swap3A_15 = vector.shape_cast %swap3A_14 : vector<1x384x1024xf32> to vector<384x1024xf32>
    %swap3A_16 = vector.shape_cast %add3A_11 : vector<384x1024xf32> to vector<1x384x1024xf32>
    tpu.vector_store %arg4[%swap3A, %swap3A_12, %swap3A_13], %swap3A_16 {strides = array<i32>} : memref<1x384x1024xf32, #tpu.memory_space<vmem>>, vector<1x384x1024xf32>,
    return
  }
  func.func @transform_0(%arg0: i32) -> (i32, i32, i32) {
    %c0_i32 = arith.constant 0 : i32
    %c0_i32_0 = arith.constant 0 : i32
    %c0_i32_1 = arith.constant 0 : i32
    return %arg0, %c0_i32, %c0_i32_0 : i32, i32, i32
  }
  func.func @transform_1(%arg0: i32) -> (i32, i32) {
    %c0_i32 = arith.constant 0 : i32
    %c0_i32_0 = arith.constant 0 : i32
    %c0_i32_1 = arith.constant 0 : i32
    return %c0_i32, %c0_i32_0 : i32, i32
  }
  func.func @transform_2(%arg0: i32) -> (i32, i32) {
    %c0_i32 = arith.constant 0 : i32
    %c0_i32_0 = arith.constant 0 : i32
    %c0_i32_1 = arith.constant 0 : i32
    return %c0_i32, %c0_i32_0 : i32, i32
  }
  func.func @transform_3(%arg0: i32) -> (i32, i32, i32) {
    %c0_i32 = arith.constant 0 : i32
    %c0_i32_0 = arith.constant 0 : i32
    %c0_i32_1 = arith.constant 0 : i32
    return %arg0, %c0_i32, %c0_i32_0 : i32, i32, i32
  }
}

</mosaic_0001>

<sc_bundles>
// kernel: kernel.5.cloned.1.call-start
scs
__scs_entry_jumppad:
0x0: {  	(pc) =	sbr.rel $0x88, $3  }
0x1: {  	(tag) =	ssettag $0x0;
	lr =	simm.s32 $0x1  }
0x2: {  	[smem:$0x3F9A] =	sst lr;
	_ =	strace $0xD0000000  }
0x3: {  	_ = 	snop  }
0x4: {  	_ = 	snop  }
0x5: {  	_ = 	snop  }
0x6: {  	_ = 	snop  }
0x7: {  	_ = 	snop  }
__scs_overlays_trampoline_lowered:
0x8: {  	[smem:$0x3FA9] =	sst s0  }
0x9: {  	[smem:$0x3FAA] =	sst s1  }
0xa: {  	[smem:$0x3FAB] =	sst s2  }
0xb: {  	[smem:$0x3FAC] =	sst s3  }
0xc: {  	[smem:$0x3FAD] =	sst s4  }
0xd: {  	[smem:$0x3FAE] =	sst s5  }
0xe: {  	[smem:$0x3FAF] =	sst s6  }
0xf: {  	[smem:$0x3FB0] =	sst s7  }
0x10: {  	[smem:$0x3FB1] =	sst s8  }
0x11: {  	[smem:$0x3FB2] =	sst s9;
	s0 =	simm.s32 @!p0 $0x0  }
0x12: {  	s1 =	sld [smem:$0x3F98];
	s0 =	simm.s32 @p0 $0x1  }
0x13: {  	[smem:$0x3FB3] =	sst s0;
	s0 =	simm.s32 @!p1 $0x0  }
0x14: {  	s2 =	sld [smem:$0x3F97];
	s0 =	simm.s32 @p1 $0x1  }
0x15: {  	[smem:$0x3FB4] =	sst s0;
	s0 =	simm.s32 @!p2 $0x0  }
0x16: {  	s3 =	sld [smem:$0x3FDB];
	s0 =	simm.s32 @p2 $0x1  }
0x17: {  	s4 =	simm.s32 $0x1BF5;
	[smem:$0x3FB6] =	sst s0  }
0x18: {  	s0 =	sld [smem:$0x3F99];
	_ =	swait.ge [sflag:s4], $0x0  }
0x19: {  	s7 =	sld [smem:$0x3F9A]  }
0x1a: {  	s8 =	sadd.s32 $0xFFFFE003, lr  }
0x1b: {  	s9 =	sadd.s32 $0xFFFFFEF7, lr;
	s5 =	simm.s32 $0xFFFFFFFF;
	p2 =	slt.u32 s8, $0xFFFFF086  }
0x1c: {  	p1 =	slt.u32 s9, $0xF7A;
	s5 =	simm.s32 @!p2 $0x0  }
0x1d: {  	s5 =	simm.s32 @p1 $0x1;
	p0 =	seq.s32 s7, s2  }
0x1e: {  	s7 =	smul.u32 @!p0 $0xF7A, s2;
	p2 =	seq.s32 @!p0 s5, $0x0  }
0x1f: {  	s9 =	smul.u32 $0xF7A, s1;
	s8 =	simm.s32 @!p0 $0x1BF5;
	p2 =	por !p2, p0  }
0x20: {  	[sflag:s8] =	ssyncset.s32 @!p0 $0xFFFFF086;
	s6 =	sadd.s32 @!p0 s3, s7;
	s7 =	simm.s32 @!p0 $0x108  }
0x21: {  	s3 =	sadd.s32 s3, s9;
	s6 =	sadd.s32 @!p0 $0x88, s6;
	s7 =	simm.s32 @p2 $0x1082  }
0x22: {  	[simem:s7], [sflag:s8] =	dma.local @!p0 [hbm:s6], $0xF7A  }
0x23: {  	s9 =	sor.u32 $0xD0000000, s2;
	s6 =	simm.s32 $0x108;
	_ =	swait.ge @!p0 [sflag:s8], $0x0  }
0x24: {  	s3 =	sadd.s32 $0x88, s3;
	s6 =	simm.s32 @!p1 $0x1082;
	[sflag:s4] =	ssyncset.s32 $0xFFFFF086  }
0x25: {  	[simem:s6], [sflag:s4] =	dma.local [hbm:s3], $0xF7A  }
0x26: {  	[smem:$0x3F9A] =	sst s1;
	(tag) =	ssettag s2;
	_ =	strace s9  }
0x27: {  	s1 =	sld [smem:$0x3FAA]  }
0x28: {  	s2 =	sld [smem:$0x3FAB]  }
0x29: {  	s4 =	sld [smem:$0x3FAD]  }
0x2a: {  	p0 =	seq.s32 s5, $0x0;
	s5 =	sld [smem:$0x3FAE]  }
0x2b: {  	s6 =	sld [smem:$0x3FAF]  }
0x2c: {  	s7 =	sld [smem:$0x3FB0]  }
0x2d: {  	s3 =	simm.s32 $0x108;
	s8 =	sld [smem:$0x3FB1]  }
0x2e: {  	s3 =	simm.s32 @!p0 $0x1082;
	s9 =	sld [smem:$0x3FB2]  }
0x2f: {  	lr =	sadd.s32 s0, s3;
	s0 =	sld [smem:$0x3FA9]  }
0x30: {  	s3 =	sld [smem:$0x3FAC]  }
0x31: {  	[smem:$0x3FB5] =	sst s10  }
0x32: {  	s10 =	sld [smem:$0x3FB3];
	_ =	sdelay $0x3  }
0x33: {  	p0 =	seq.s32 s10, $0x1;
	s10 =	sld [smem:$0x3FB5];
	_ =	sdelay $0x3  }
0x34: {  	[smem:$0x3FB5] =	sst s10  }
0x35: {  	s10 =	sld [smem:$0x3FB4];
	_ =	sdelay $0x3  }
0x36: {  	p1 =	seq.s32 s10, $0x1;
	s10 =	sld [smem:$0x3FB5];
	_ =	sdelay $0x3  }
0x37: {  	[smem:$0x3FB5] =	sst s10  }
0x38: {  	s10 =	sld [smem:$0x3FB6]  }
0x39: {  	_ = 	snop;
	(pc) =	sbr.ind lr, $3  }
0x3a: {  	_ = 	snop  }
0x3b: {  	_ = 	snop  }
0x3c: {  	p2 =	seq.s32 s10, $0x1;
	s10 =	sld [smem:$0x3FB5]  }
0x3d: {  	_ =	shalt  }
0x3e: {  	_ =	shalt  }
0x3f: {  	_ =	shalt  }
0x40: {  	_ =	shalt  }
0x41: {  	_ =	shalt  }
0x42: {  	_ =	shalt  }
0x43: {  	_ =	shalt  }
0x44: {  	_ =	shalt  }
0x45: {  	_ =	shalt  }
0x46: {  	_ =	shalt  }
0x47: {  	_ =	shalt  }
0x48: {  	_ =	shalt  }
0x49: {  	_ =	shalt  }
0x4a: {  	_ =	shalt  }
0x4b: {  	_ =	shalt  }
0x4c: {  	_ =	shalt  }
0x4d: {  	_ =	shalt  }
0x4e: {  	_ =	shalt  }
0x4f: {  	_ =	shalt  }
0x50: {  	_ =	shalt  }
0x51: {  	_ =	shalt  }
0x52: {  	_ =	shalt  }
0x53: {  	_ =	shalt  }
0x54: {  	_ =	shalt  }
0x55: {  	_ =	shalt  }
0x56: {  	_ =	shalt  }
0x57: {  	_ =	shalt  }
0x58: {  	_ =	shalt  }
0x59: {  	_ =	shalt  }
0x5a: {  	_ =	shalt  }
0x5b: {  	_ =	shalt  }
0x5c: {  	_ =	shalt  }
0x5d: {  	_ =	shalt  }
0x5e: {  	_ =	shalt  }
0x5f: {  	_ =	shalt  }
0x60: {  	_ =	shalt  }
0x61: {  	_ =	shalt  }
0x62: {  	_ =	shalt  }
0x63: {  	_ =	shalt  }
0x64: {  	_ =	shalt  }
0x65: {  	_ =	shalt  }
0x66: {  	_ =	shalt  }
0x67: {  	_ =	shalt  }
0x68: {  	_ =	shalt  }
0x69: {  	_ =	shalt  }
0x6a: {  	_ =	shalt  }
0x6b: {  	_ =	shalt  }
0x6c: {  	_ =	shalt  }
0x6d: {  	_ =	shalt  }
0x6e: {  	_ =	shalt  }
0x6f: {  	_ =	shalt  }
0x70: {  	_ =	shalt  }
0x71: {  	_ =	shalt  }
0x72: {  	_ =	shalt  }
0x73: {  	_ =	shalt  }
0x74: {  	_ =	shalt  }
0x75: {  	_ =	shalt  }
0x76: {  	_ =	shalt  }
0x77: {  	_ =	shalt  }
0x78: {  	_ =	shalt  }
0x79: {  	_ =	shalt  }
0x7a: {  	_ =	shalt  }
0x7b: {  	_ =	shalt  }
0x7c: {  	_ =	shalt  }
0x7d: {  	_ =	shalt  }
0x7e: {  	_ =	shalt  }
0x7f: {  	_ =	shalt  }
0x80: {  	_ =	shalt  }
0x81: {  	_ =	shalt  }
0x82: {  	_ =	shalt  }
0x83: {  	_ =	shalt  }
0x84: {  	_ =	shalt  }
0x85: {  	_ =	shalt  }
0x86: {  	_ =	shalt  }
0x87: {  	_ =	shalt  }
.Lfunc_end0:
.L_simem_size_0:
called_computation_lowered:
.L_overlay_start_0:
0x88: {  	s2 =	sld [smem:$0x3FD9]  }
0x89: {  	s3 =	sld [smem:$0x3FFE];
	_ =	sdelay $0x1  }
0x8a: {  	s1 =	srdreg.scid  }
0x8b: {  	s0 =	sand.u32 $0x1, s1  }
0x8c: {  	s15 =	sshll.u32 s0, $0xA;
	s2 =	sadd.s32 s3, s2  }
0x8d: {  	s2 =	sadd.s32 s2, s15  }
0x8e: {  	[smem:$0x3FC1] =	sst s2  }
0x8f: {  	_ = 	snop  }
0x90: {  	s2 =	sld [smem:$0x3FD0];
	_ =	sdelay $0x2  }
0x91: {  	s4 =	simm.s32 $0xA;
	s5 =	simm.s32 $0x10;
	s16 =	sld [smem:$0x3FC5]  }
0x92: {  	[smem:s5], [sflag:s4] =	dma.local [hbm:s2], $0x1  }
0x93: {  	_ =	swait.eq [sflag:s4], $0x1  }
0x94: {  	[sflag:s4] =	ssyncset.done $0x0  }
0x95: {  	s17 =	sld [smem:$0x11];
	[sflag:s4] =	ssyncadd.s32 $0xFFFFFFFF  }
0x96: {  	s18 =	sld [smem:$0x13];
	(tm) =	ssettm $0x1  }
0x97: {  	s19 =	sld [smem:$0x3FFB];
	_ =	sdelay $0x3  }
0x98: {  	_ =	strace s19  }
0x99: {  	s5 =	sld [smem:$0x3FFC];
	_ =	sdelay $0x3  }
0x9a: {  	_ =	strace s5  }
0x9b: {  	s5 =	sld [smem:$0x3FFD];
	_ =	sdelay $0x3  }
0x9c: {  	_ =	strace s5  }
0x9d: {  	_ =	strace $0x8FFFFFFF  }
0x9e: {  	s20 =	sld [smem:$0x3FDB];
	_ =	sdelay $0x1  }
0x9f: {  	s6 =	simm.s32 $_scs_section_size  }
0xa0: {  	s7 =	simm.s32 $_size__tile_overlayer_lowered;
	s8 =	simm.s32 $_tile_overlayer_lowered  }
0xa1: {  	s23 =	simm.s32 $0x1BFF;
	s22 =	sshll.u32 s8, $0x1;
	s5 =	sadd.s32 s6, s20  }
0xa2: {  	s9 =	simm.s32 $0x0;
	s21 =	sshll.u32 s7, $0x1;
	s7 =	sadd.s32 s22, s5  }
0xa3: {  	[timem:s9], [sflag:s23] =	dma.local [hbm:s7], s21  }
0xa4: {  	_ =	swait.ge [sflag:s23], s21  }
0xa5: {  	s6 =	ssub.s32 $0x0, s21;
	[sflag:s23] =	ssyncset.done $0x0  }
0xa6: {  	[sflag:s23] =	ssyncadd.s32 s6;
	_ =	sdelay $0x1  }
0xa7: {  	s24 =	simm.s32 $0x1B8B  }
0xa8: {  	_ =	swait.ge [sflag:s24], $0x1  }
0xa9: {  	[sflag:s24] =	ssyncset.done $0x0  }
0xaa: {  	s25 =	simm.s32 $0x1B8E;
	[sflag:s24] =	ssyncadd.s32 $0xFFFFFFFF  }
0xab: {  	s26 =	simm.s32 $execute0_lowered;
	[smem:$0x3FD2] =	sst s25  }
0xac: {  	s6 =	sshll.u32 s26, $0x1;
	_ =	strace $0x80000046;
	[dreg:$0x1] =	wrdreg $0xFFFFFFFF  }
0xad: {  	s28 =	simm.s32 $_size_execute0_lowered;
	s5 =	sadd.s32 s5, s6;
	[dreg:$0x0] =	wrdreg $0x0  }
0xae: {  	s6 =	sshll.u32 s28, $0x1;
	[dreg:$0x2] =	wrdreg s5  }
0xaf: {  	[dreg:$0x3] =	wrdreg s6  }
0xb0: {  	[dreg:$0x4] =	wrdreg $0xC0  }
0xb1: {  	_ =	task [dreg:s9], $0x5FFFF  }
0xb2: {  	[dreg:$0x1] =	wrdreg $0xFFFFFFFF  }
0xb3: {  	[dreg:$0x0] =	wrdreg $0x60  }
0xb4: {  	[dreg:$0x2] =	wrdreg s16  }
0xb5: {  	[dreg:$0x3] =	wrdreg s18  }
0xb6: {  	[dreg:$0x4] =	wrdreg s17  }
0xb7: {  	[dreg:$0x5] =	wrdreg $0x9  }
0xb8: {  	_ =	task.clear_ibuf [dreg:s9], $0x6FFFF;
	_ =	strace $0x90000046  }
0xb9: {  	s29 =	simm.s32 $0x9;
	_ =	strace $0x80000048  }
0xba: {  	_ =	swait.ge [sflag:s29], $0x1  }
0xbb: {  	[sflag:s29] =	ssyncadd.s32 $0xFFFFFFFF  }
0xbc: {  	_ =	strace $0x90000048  }
0xbd: {  	_ =	sfence  }
0xbe: {  	s30 =	sld [smem:$0x0];
	_ =	sdelay $0x2  }
0xbf: {  	s31 =	sshll.u32 s1, $0xD;
	s1 =	sshrl.u32 s1, $0x2  }
0xc0: {  	s3 =	sand.u32 $0x4000, s31;
	s1 =	sadd.s32 s1, s30  }
0xc1: {  	s0 =	sor.u32 s3, s0;
	s1 =	sshll.u32 s1, $0x11  }
0xc2: {  	s0 =	sor.u32 s1, s0  }
0xc3: {  	s0 =	sadd.s32 $0x8F2B, s0  }
0xc4: {  	[sflag:s0] =	ssyncadd.remote.s32 $0x1  }
0xc5: {  	_ =	sfence.sel $0xFFFF  }
0xc6: {  	[dreg:$0x0] =	wrdreg $0xFFFFFFFF;
	(pc) =	sbr.abs _section_cstart, $3  }
0xc7: {  	[dreg:$0x1] =	wrdreg $0xFFFFFFFF  }
0xc8: {  	_ =	task.clear_ibuf [dreg:s9], $0x2FFFF;
	_ =	strace $0x9FFFFFFF  }
0xc9: {  	(tm) =	ssettm $0x7FFFFFFF  }
tec
execute0_lowered:
.L_overlay_start_1:
0x0: {  	(tag) =	ssettag $0x1  }
0x1: {  	s1 =	rddreg [dreg:$0x0]  }
0x2: {  	s4 =	rddreg [dreg:$0x1]  }
0x3: {  	s5 =	rddreg [dreg:$0x2];
	s3 =	simm.s32 $0x0  }
0x4: {  	s11 =	simm.s32 $0x900;
	[smem:$0x7FF] =	sst s3  }
0x5: {  	s12 =	simm.s32 $0x1100;
	_ =	strace $0x80000047;
	[dreg:$0x8] =	wrdreg s11  }
0x6: {  	s13 =	simm.s32 $0x1900;
	[dreg:$0x9] =	wrdreg s12  }
0x7: {  	s14 =	simm.s32 $0x2100;
	[dreg:$0xa] =	wrdreg s13  }
0x8: {  	s2 =	srdreg.scid;
	s15 =	simm.s32 $0x2900;
	[dreg:$0xb] =	wrdreg s14  }
0x9: {  	s0 =	stileid.u32;
	s16 =	simm.s32 $0x3100;
	[dreg:$0xc] =	wrdreg s15  }
0xa: {  	s17 =	simm.s32 $0x3900;
	s18 =	simm.s32 $0x4900;
	[dreg:$0xd] =	wrdreg s16  }
0xb: {  	s19 =	simm.s32 $0x5100;
	s21 =	simm.s32 $0x5900;
	[dreg:$0xe] =	wrdreg s17  }
0xc: {  	s22 =	simm.s32 $0x6100;
	s23 =	simm.s32 $0x6900;
	[dreg:$0xf] =	wrdreg s18  }
0xd: {  	s24 =	simm.s32 $0x7100;
	s25 =	simm.s32 $0x7900;
	[dreg:$0x10] =	wrdreg s19  }
0xe: {  	s8 =	simm.s32 $0x4100;
	s26 =	simm.s32 $0x8900;
	[dreg:$0x11] =	wrdreg s21  }
0xf: {  	s28 =	simm.s32 $0x4;
	s29 =	simm.s32 $0x5;
	[dreg:$0x12] =	wrdreg s22  }
0x10: {  	s30 =	simm.s32 $0x6;
	s31 =	simm.s32 $0x7;
	[dreg:$0x13] =	wrdreg s23  }
0x11: {  	s2 =	sand.u32 $0x1, s2;
	s6 =	sshll.u32 s0, $0x9;
	[dreg:$0x14] =	wrdreg s24  }
0x12: {  	s7 =	sshll.u32 s2, $0x8;
	s2 =	ssub.s32 $0x2, s2;
	[dreg:$0x15] =	wrdreg s25  }
0x13: {  	[dreg:$0x16] =	wrdreg s26;
	s11 =	simm.s32 $0x9900;
	s12 =	simm.s32 $0xA100  }
0x14: {  	s13 =	simm.s32 $0xA900;
	s14 =	simm.s32 $0xB100;
	s15 =	simm.s32 $0xB900  }
0x15: {  	s16 =	simm.s32 $0xC100;
	s17 =	simm.s32 $0xC900;
	s18 =	simm.s32 $0xD100  }
0x16: {  	s19 =	simm.s32 $0xD900;
	s21 =	simm.s32 $0xE900;
	s22 =	simm.s32 $0xF100  }
0x17: {  	s23 =	simm.s32 $0xF900;
	s24 =	simm.s32 $0x1;
	s6 =	sor.u32 s7, s6  }
0x18: {  	s25 =	simm.s32 $0x2;
	s7 =	sshrl.u32 s6, $0x3;
	s6 =	sshll.u32 s6, $0x5  }
0x19: {  	s26 =	simm.s32 $0x3;
	s7 =	sadd.s32 s4, s7;
	s4 =	sadd.s32 s5, s6  }
0x1a: {  	s20 =	sshrl.u32 s2, $0x1;
	[dreg:$0x4] =	wrdreg s7;
	s5 =	sadd.s32 $0x800, s4  }
0x1b: {  	s2 =	ssub.s32 s2, s20;
	s9 =	sadd.s32 $0x1000, s4;
	[dreg:$0x5] =	wrdreg s5  }
0x1c: {  	v2 =	vlaneseq.u32;
	s20 =	simm.s32 $0xE100;
	s10 =	sadd.s32 $0x1800, s4;
	[dreg:$0x6] =	wrdreg s9  }
0x1d: {  	vm0 =	vmmov $0xffff;
	v1 =	vshrl.u32 v2, $0x3;
	s6 =	simm.s32 $0x9;
	s7 =	simm.s32 $0x100;
	[dreg:$0x7] =	wrdreg s10  }
0x1e: {  	v0 =	vand.u32 $0x7, v2;
	v2 =	vor.u32 $0x8, v2;
	v1 =	vmul.u32 $0x8, v1;
	s5 =	smax.u32 s2, $0x1;
	s9 =	simm.s32 $0x8100;
	s2 =	simm.s32 $0x8  }
.LBB2_1:
0x1f: {  	s0 =	rddreg [dreg:$0x4]  }
0x20: {  	[tilespmem:s3], [sflag:$0x9] =	stream.linear.gather [hbm4b:s0+s3], $0x100, $0x38;
	[tilespmem:$0x10100] =	vst v63  }
0x21: {  	_ =	swait.ge [sflag:s6], $0x100  }
0x22: {  	[sflag:s6] =	ssyncset.done $0x0  }
0x23: {  	[sflag:s6] =	ssyncadd.s32 $0xFFFFFF00  }
0x24: {  	v3 =	vld [tilespmem:$0x0];
	_ =	sdelay $0x4  }
0x25: {  	v4 =	vshll.u32 v3, $0x1  }
0x26: {  	v3 =	vand.u32 $0x7, v3;
	v4 =	vand.u32 $0xFFFFFFF0, v4  }
0x27: {  	v3 =	vor.u32 v3, v4  }
0x28: {  	v4 =	vperm.xlane v3, v0;
	_ =	sdelay $0x1  }
0x29: {  	v3 =	vperm.xlane v3, v2;
	v4 =	vadd.s32 v1, v4;
	_ =	sdelay $0x1  }
0x2a: {  	v3 =	vadd.s32 v1, v3;
	_ =	sdelay $0x2  }
0x2b: {  	[tilespmem:s7], [sflag:$0x1] =	stream.indirect_vreg.gather [hbm4b:s1+s3], $0x80, v4, vm0, $0xb8;
	[tilespmem:$0x10100] =	vst v63  }
0x2c: {  	s10 =	rddreg [dreg:$0x8]  }
0x2d: {  	[tilespmem:s10], [sflag:$0x1] =	stream.indirect_vreg.gather [hbm4b:s1+s3], $0x80, v3, vm0, $0xb8;
	[tilespmem:$0x10100] =	vst v63  }
0x2e: {  	v3 =	vld [tilespmem:$0x10];
	_ =	sdelay $0x4  }
0x2f: {  	v49 =	vshll.u32 v3, $0x1  }
0x30: {  	v3 =	vand.u32 $0x7, v3;
	v4 =	vand.u32 $0xFFFFFFF0, v49  }
0x31: {  	v3 =	vor.u32 v3, v4  }
0x32: {  	v4 =	vperm.xlane v3, v0;
	_ =	sdelay $0x1  }
0x33: {  	v3 =	vperm.xlane v3, v2;
	v4 =	vadd.s32 v1, v4;
	_ =	sdelay $0x1  }
0x34: {  	v3 =	vadd.s32 v1, v3;
	_ =	sdelay $0x1  }
0x35: {  	s0 =	rddreg [dreg:$0x9]  }
0x36: {  	[tilespmem:s0], [sflag:$0x1] =	stream.indirect_vreg.gather [hbm4b:s1+s3], $0x80, v4, vm0, $0xb8;
	[tilespmem:$0x10100] =	vst v63  }
0x37: {  	s10 =	rddreg [dreg:$0xa]  }
0x38: {  	[tilespmem:s10], [sflag:$0x1] =	stream.indirect_vreg.gather [hbm4b:s1+s3], $0x80, v3, vm0, $0xb8;
	[tilespmem:$0x10100] =	vst v63  }
0x39: {  	v3 =	vld [tilespmem:$0x20];
	_ =	sdelay $0x4  }
0x3a: {  	v50 =	vshll.u32 v3, $0x1  }
0x3b: {  	v3 =	vand.u32 $0x7, v3;
	v4 =	vand.u32 $0xFFFFFFF0, v50  }
0x3c: {  	v3 =	vor.u32 v3, v4  }
0x3d: {  	v4 =	vperm.xlane v3, v0;
	_ =	sdelay $0x1  }
0x3e: {  	v3 =	vperm.xlane v3, v2;
	v4 =	vadd.s32 v1, v4;
	_ =	sdelay $0x1  }
0x3f: {  	v3 =	vadd.s32 v1, v3;
	_ =	sdelay $0x1  }
0x40: {  	s0 =	rddreg [dreg:$0xb]  }
0x41: {  	[tilespmem:s0], [sflag:$0x1] =	stream.indirect_vreg.gather [hbm4b:s1+s3], $0x80, v4, vm0, $0xb8;
	[tilespmem:$0x10100] =	vst v63  }
0x42: {  	s10 =	rddreg [dreg:$0xc]  }
0x43: {  	[tilespmem:s10], [sflag:$0x1] =	stream.indirect_vreg.gather [hbm4b:s1+s3], $0x80, v3, vm0, $0xb8;
	[tilespmem:$0x10100] =	vst v63  }
0x44: {  	v3 =	vld [tilespmem:$0x30];
	_ =	sdelay $0x4  }
0x45: {  	v51 =	vshll.u32 v3, $0x1  }
0x46: {  	v3 =	vand.u32 $0x7, v3;
	v4 =	vand.u32 $0xFFFFFFF0, v51  }
0x47: {  	v3 =	vor.u32 v3, v4  }
0x48: {  	v4 =	vperm.xlane v3, v0;
	_ =	sdelay $0x1  }
0x49: {  	v3 =	vperm.xlane v3, v2;
	v4 =	vadd.s32 v1, v4;
	_ =	sdelay $0x1  }
0x4a: {  	v3 =	vadd.s32 v1, v3;
	_ =	sdelay $0x1  }
0x4b: {  	s0 =	rddreg [dreg:$0xd]  }
0x4c: {  	[tilespmem:s0], [sflag:$0x1] =	stream.indirect_vreg.gather [hbm4b:s1+s3], $0x80, v4, vm0, $0xb8;
	[tilespmem:$0x10100] =	vst v63  }
0x4d: {  	s10 =	rddreg [dreg:$0xe]  }
0x4e: {  	[tilespmem:s10], [sflag:$0x1] =	stream.indirect_vreg.gather [hbm4b:s1+s3], $0x80, v3, vm0, $0xb8;
	[tilespmem:$0x10100] =	vst v63  }
0x4f: {  	v3 =	vld [tilespmem:$0x40];
	_ =	sdelay $0x4  }
0x50: {  	v52 =	vshll.u32 v3, $0x1  }
0x51: {  	v3 =	vand.u32 $0x7, v3;
	v4 =	vand.u32 $0xFFFFFFF0, v52  }
0x52: {  	v3 =	vor.u32 v3, v4  }
0x53: {  	v4 =	vperm.xlane v3, v0;
	_ =	sdelay $0x1  }
0x54: {  	v3 =	vperm.xlane v3, v2;
	v4 =	vadd.s32 v1, v4;
	_ =	sdelay $0x1  }
0x55: {  	v3 =	vadd.s32 v1, v3;
	_ =	sdelay $0x2  }
0x56: {  	[tilespmem:s8], [sflag:$0x2] =	stream.indirect_vreg.gather [hbm4b:s1+s3], $0x80, v4, vm0, $0xb8;
	[tilespmem:$0x10100] =	vst v63  }
0x57: {  	s10 =	rddreg [dreg:$0xf]  }
0x58: {  	[tilespmem:s10], [sflag:$0x2] =	stream.indirect_vreg.gather [hbm4b:s1+s3], $0x80, v3, vm0, $0xb8;
	[tilespmem:$0x10100] =	vst v63  }
0x59: {  	v3 =	vld [tilespmem:$0x50];
	_ =	sdelay $0x4  }
0x5a: {  	v53 =	vshll.u32 v3, $0x1  }
0x5b: {  	v3 =	vand.u32 $0x7, v3;
	v4 =	vand.u32 $0xFFFFFFF0, v53  }
0x5c: {  	v3 =	vor.u32 v3, v4  }
0x5d: {  	v4 =	vperm.xlane v3, v0;
	_ =	sdelay $0x1  }
0x5e: {  	v3 =	vperm.xlane v3, v2;
	v4 =	vadd.s32 v1, v4;
	_ =	sdelay $0x1  }
0x5f: {  	v3 =	vadd.s32 v1, v3;
	_ =	sdelay $0x1  }
0x60: {  	s0 =	rddreg [dreg:$0x10]  }
0x61: {  	[tilespmem:s0], [sflag:$0x2] =	stream.indirect_vreg.gather [hbm4b:s1+s3], $0x80, v4, vm0, $0xb8;
	[tilespmem:$0x10100] =	vst v63  }
0x62: {  	s10 =	rddreg [dreg:$0x11]  }
0x63: {  	[tilespmem:s10], [sflag:$0x2] =	stream.indirect_vreg.gather [hbm4b:s1+s3], $0x80, v3, vm0, $0xb8;
	[tilespmem:$0x10100] =	vst v63  }
0x64: {  	v3 =	vld [tilespmem:$0x60];
	_ =	sdelay $0x4  }
0x65: {  	v54 =	vshll.u32 v3, $0x1  }
0x66: {  	v3 =	vand.u32 $0x7, v3;
	v4 =	vand.u32 $0xFFFFFFF0, v54  }
0x67: {  	v3 =	vor.u32 v3, v4  }
0x68: {  	v4 =	vperm.xlane v3, v0;
	_ =	sdelay $0x1  }
0x69: {  	v3 =	vperm.xlane v3, v2;
	v4 =	vadd.s32 v1, v4;
	_ =	sdelay $0x1  }
0x6a: {  	v3 =	vadd.s32 v1, v3;
	_ =	sdelay $0x1  }
0x6b: {  	s0 =	rddreg [dreg:$0x12]  }
0x6c: {  	[tilespmem:s0], [sflag:$0x2] =	stream.indirect_vreg.gather [hbm4b:s1+s3], $0x80, v4, vm0, $0xb8;
	[tilespmem:$0x10100] =	vst v63  }
0x6d: {  	s10 =	rddreg [dreg:$0x13]  }
0x6e: {  	[tilespmem:s10], [sflag:$0x2] =	stream.indirect_vreg.gather [hbm4b:s1+s3], $0x80, v3, vm0, $0xb8;
	[tilespmem:$0x10100] =	vst v63  }
0x6f: {  	v3 =	vld [tilespmem:$0x70];
	_ =	sdelay $0x4  }
0x70: {  	v55 =	vshll.u32 v3, $0x1  }
0x71: {  	v3 =	vand.u32 $0x7, v3;
	v4 =	vand.u32 $0xFFFFFFF0, v55  }
0x72: {  	v3 =	vor.u32 v3, v4  }
0x73: {  	v4 =	vperm.xlane v3, v0;
	_ =	sdelay $0x1  }
0x74: {  	v3 =	vperm.xlane v3, v2;
	v4 =	vadd.s32 v1, v4;
	_ =	sdelay $0x1  }
0x75: {  	v3 =	vadd.s32 v1, v3;
	_ =	sdelay $0x1  }
0x76: {  	s0 =	rddreg [dreg:$0x14]  }
0x77: {  	[tilespmem:s0], [sflag:$0x2] =	stream.indirect_vreg.gather [hbm4b:s1+s3], $0x80, v4, vm0, $0xb8;
	[tilespmem:$0x10100] =	vst v63  }
0x78: {  	s10 =	rddreg [dreg:$0x15]  }
0x79: {  	[tilespmem:s10], [sflag:$0x2] =	stream.indirect_vreg.gather [hbm4b:s1+s3], $0x80, v3, vm0, $0xb8;
	[tilespmem:$0x10100] =	vst v63  }
0x7a: {  	v3 =	vld [tilespmem:$0x80];
	_ =	sdelay $0x4  }
0x7b: {  	v56 =	vshll.u32 v3, $0x1  }
0x7c: {  	v3 =	vand.u32 $0x7, v3;
	v4 =	vand.u32 $0xFFFFFFF0, v56  }
0x7d: {  	v3 =	vor.u32 v3, v4  }
0x7e: {  	v4 =	vperm.xlane v3, v0;
	_ =	sdelay $0x1  }
0x7f: {  	v3 =	vperm.xlane v3, v2;
	v4 =	vadd.s32 v1, v4;
	_ =	sdelay $0x1  }
0x80: {  	v3 =	vadd.s32 v1, v3;
	_ =	sdelay $0x2  }
0x81: {  	[tilespmem:s9], [sflag:$0x3] =	stream.indirect_vreg.gather [hbm4b:s1+s3], $0x80, v4, vm0, $0xb8;
	[tilespmem:$0x10100] =	vst v63  }
0x82: {  	s10 =	rddreg [dreg:$0x16]  }
0x83: {  	[tilespmem:s10], [sflag:$0x3] =	stream.indirect_vreg.gather [hbm4b:s1+s3], $0x80, v3, vm0, $0xb8;
	[tilespmem:$0x10100] =	vst v63  }
0x84: {  	v3 =	vld [tilespmem:$0x90];
	_ =	sdelay $0x4  }
0x85: {  	v57 =	vshll.u32 v3, $0x1  }
0x86: {  	v3 =	vand.u32 $0x7, v3;
	v4 =	vand.u32 $0xFFFFFFF0, v57  }
0x87: {  	v3 =	vor.u32 v3, v4  }
0x88: {  	v4 =	vperm.xlane v3, v0;
	_ =	sdelay $0x1  }
0x89: {  	v3 =	vperm.xlane v3, v2;
	v4 =	vadd.s32 v1, v4;
	_ =	sdelay $0x1  }
0x8a: {  	v3 =	vadd.s32 v1, v3;
	_ =	sdelay $0x1  }
0x8b: {  	s10 =	simm.s32 $0x9100  }
0x8c: {  	[tilespmem:s10], [sflag:$0x3] =	stream.indirect_vreg.gather [hbm4b:s1+s3], $0x80, v4, vm0, $0xb8;
	[tilespmem:$0x10100] =	vst v63  }
0x8d: {  	_ = 	snop  }
0x8e: {  	[tilespmem:s11], [sflag:$0x3] =	stream.indirect_vreg.gather [hbm4b:s1+s3], $0x80, v3, vm0, $0xb8;
	[tilespmem:$0x10100] =	vst v63  }
0x8f: {  	v3 =	vld [tilespmem:$0xA0];
	_ =	sdelay $0x4  }
0x90: {  	v58 =	vshll.u32 v3, $0x1  }
0x91: {  	v3 =	vand.u32 $0x7, v3;
	v4 =	vand.u32 $0xFFFFFFF0, v58  }
0x92: {  	v3 =	vor.u32 v3, v4  }
0x93: {  	v4 =	vperm.xlane v3, v0;
	_ =	sdelay $0x1  }
0x94: {  	v3 =	vperm.xlane v3, v2;
	v4 =	vadd.s32 v1, v4;
	_ =	sdelay $0x1  }
0x95: {  	v3 =	vadd.s32 v1, v3;
	_ =	sdelay $0x2  }
0x96: {  	[tilespmem:s12], [sflag:$0x3] =	stream.indirect_vreg.gather [hbm4b:s1+s3], $0x80, v4, vm0, $0xb8;
	[tilespmem:$0x10100] =	vst v63  }
0x97: {  	_ = 	snop  }
0x98: {  	[tilespmem:s13], [sflag:$0x3] =	stream.indirect_vreg.gather [hbm4b:s1+s3], $0x80, v3, vm0, $0xb8;
	[tilespmem:$0x10100] =	vst v63  }
0x99: {  	v3 =	vld [tilespmem:$0xB0];
	_ =	sdelay $0x4  }
0x9a: {  	v59 =	vshll.u32 v3, $0x1  }
0x9b: {  	v3 =	vand.u32 $0x7, v3;
	v4 =	vand.u32 $0xFFFFFFF0, v59  }
0x9c: {  	v3 =	vor.u32 v3, v4  }
0x9d: {  	v4 =	vperm.xlane v3, v0;
	_ =	sdelay $0x1  }
0x9e: {  	v3 =	vperm.xlane v3, v2;
	v4 =	vadd.s32 v1, v4;
	_ =	sdelay $0x1  }
0x9f: {  	v3 =	vadd.s32 v1, v3;
	_ =	sdelay $0x2  }
0xa0: {  	[tilespmem:s14], [sflag:$0x3] =	stream.indirect_vreg.gather [hbm4b:s1+s3], $0x80, v4, vm0, $0xb8;
	[tilespmem:$0x10100] =	vst v63  }
0xa1: {  	_ = 	snop  }
0xa2: {  	[tilespmem:s15], [sflag:$0x3] =	stream.indirect_vreg.gather [hbm4b:s1+s3], $0x80, v3, vm0, $0xb8;
	[tilespmem:$0x10100] =	vst v63  }
0xa3: {  	v3 =	vld [tilespmem:$0xC0];
	_ =	sdelay $0x4  }
0xa4: {  	v60 =	vshll.u32 v3, $0x1  }
0xa5: {  	v3 =	vand.u32 $0x7, v3;
	v4 =	vand.u32 $0xFFFFFFF0, v60  }
0xa6: {  	v3 =	vor.u32 v3, v4  }
0xa7: {  	v4 =	vperm.xlane v3, v0;
	_ =	sdelay $0x1  }
0xa8: {  	v3 =	vperm.xlane v3, v2;
	v4 =	vadd.s32 v1, v4;
	_ =	sdelay $0x1  }
0xa9: {  	v3 =	vadd.s32 v1, v3;
	_ =	sdelay $0x2  }
0xaa: {  	[tilespmem:s16], [sflag:$0x4] =	stream.indirect_vreg.gather [hbm4b:s1+s3], $0x80, v4, vm0, $0xb8;
	[tilespmem:$0x10100] =	vst v63  }
0xab: {  	_ = 	snop  }
0xac: {  	[tilespmem:s17], [sflag:$0x4] =	stream.indirect_vreg.gather [hbm4b:s1+s3], $0x80, v3, vm0, $0xb8;
	[tilespmem:$0x10100] =	vst v63  }
0xad: {  	v3 =	vld [tilespmem:$0xD0];
	_ =	sdelay $0x4  }
0xae: {  	v61 =	vshll.u32 v3, $0x1  }
0xaf: {  	v3 =	vand.u32 $0x7, v3;
	v4 =	vand.u32 $0xFFFFFFF0, v61  }
0xb0: {  	v3 =	vor.u32 v3, v4  }
0xb1: {  	v4 =	vperm.xlane v3, v0;
	_ =	sdelay $0x1  }
0xb2: {  	v3 =	vperm.xlane v3, v2;
	v4 =	vadd.s32 v1, v4;
	_ =	sdelay $0x1  }
0xb3: {  	v3 =	vadd.s32 v1, v3;
	_ =	sdelay $0x2  }
0xb4: {  	[tilespmem:s18], [sflag:$0x4] =	stream.indirect_vreg.gather [hbm4b:s1+s3], $0x80, v4, vm0, $0xb8;
	[tilespmem:$0x10100] =	vst v63  }
0xb5: {  	_ = 	snop  }
0xb6: {  	[tilespmem:s19], [sflag:$0x4] =	stream.indirect_vreg.gather [hbm4b:s1+s3], $0x80, v3, vm0, $0xb8;
	[tilespmem:$0x10100] =	vst v63  }
0xb7: {  	v3 =	vld [tilespmem:$0xE0];
	_ =	sdelay $0x4  }
0xb8: {  	v62 =	vshll.u32 v3, $0x1  }
0xb9: {  	v3 =	vand.u32 $0x7, v3;
	v4 =	vand.u32 $0xFFFFFFF0, v62  }
0xba: {  	v3 =	vor.u32 v3, v4  }
0xbb: {  	v4 =	vperm.xlane v3, v0;
	_ =	sdelay $0x1  }
0xbc: {  	v3 =	vperm.xlane v3, v2;
	v4 =	vadd.s32 v1, v4;
	_ =	sdelay $0x1  }
0xbd: {  	v3 =	vadd.s32 v1, v3;
	_ =	sdelay $0x2  }
0xbe: {  	[tilespmem:s20], [sflag:$0x4] =	stream.indirect_vreg.gather [hbm4b:s1+s3], $0x80, v4, vm0, $0xb8;
	[tilespmem:$0x10100] =	vst v63  }
0xbf: {  	_ = 	snop  }
0xc0: {  	[tilespmem:s21], [sflag:$0x4] =	stream.indirect_vreg.gather [hbm4b:s1+s3], $0x80, v3, vm0, $0xb8;
	[tilespmem:$0x10100] =	vst v63  }
0xc1: {  	v3 =	vld [tilespmem:$0xF0];
	_ =	sdelay $0x4  }
0xc2: {  	v63 =	vshll.u32 v3, $0x1  }
0xc3: {  	v3 =	vand.u32 $0x7, v3;
	v4 =	vand.u32 $0xFFFFFFF0, v63  }
0xc4: {  	v3 =	vor.u32 v3, v4  }
0xc5: {  	v4 =	vperm.xlane v3, v0;
	_ =	sdelay $0x1  }
0xc6: {  	v3 =	vperm.xlane v3, v2;
	v4 =	vadd.s32 v1, v4;
	_ =	sdelay $0x1  }
0xc7: {  	v3 =	vadd.s32 v1, v3;
	_ =	sdelay $0x2  }
0xc8: {  	[tilespmem:s22], [sflag:$0x4] =	stream.indirect_vreg.gather [hbm4b:s1+s3], $0x80, v4, vm0, $0xb8;
	[tilespmem:$0x10100] =	vst v63  }
0xc9: {  	_ = 	snop  }
0xca: {  	[tilespmem:s23], [sflag:$0x4] =	stream.indirect_vreg.gather [hbm4b:s1+s3], $0x80, v3, vm0, $0xb8;
	[tilespmem:$0x10100] =	vst v63  }
0xcb: {  	_ =	swait.ge [sflag:s24], $0x4000  }
0xcc: {  	[sflag:s24] =	ssyncset.done $0x0  }
0xcd: {  	[sflag:s24] =	ssyncadd.s32 $0xFFFFC000  }
0xce: {  	[hbm4b:s4+s3] =	stream.linear.scatter [tilespmem:s7], [sflag:$0x5], $0x4000, $0x38;
	[tilespmem:$0x10100] =	vst v63  }
0xcf: {  	_ =	swait.ge [sflag:s25], $0x4000  }
0xd0: {  	[sflag:s25] =	ssyncset.done $0x0  }
0xd1: {  	s10 =	rddreg [dreg:$0x5];
	[sflag:s25] =	ssyncadd.s32 $0xFFFFC000  }
0xd2: {  	[hbm4b:s10+s3] =	stream.linear.scatter [tilespmem:s8], [sflag:$0x6], $0x4000, $0x38;
	[tilespmem:$0x10100] =	vst v63  }
0xd3: {  	_ =	swait.ge [sflag:s26], $0x4000  }
0xd4: {  	[sflag:s26] =	ssyncset.done $0x0  }
0xd5: {  	s10 =	rddreg [dreg:$0x6];
	[sflag:s26] =	ssyncadd.s32 $0xFFFFC000  }
0xd6: {  	[hbm4b:s10+s3] =	stream.linear.scatter [tilespmem:s9], [sflag:$0x7], $0x4000, $0x38;
	[tilespmem:$0x10100] =	vst v63  }
0xd7: {  	_ =	swait.ge [sflag:s28], $0x4000  }
0xd8: {  	[sflag:s28] =	ssyncset.done $0x0  }
0xd9: {  	s10 =	rddreg [dreg:$0x7];
	[sflag:s28] =	ssyncadd.s32 $0xFFFFC000  }
0xda: {  	[hbm4b:s10+s3] =	stream.linear.scatter [tilespmem:s16], [sflag:$0x8], $0x4000, $0x38;
	[tilespmem:$0x10100] =	vst v63  }
0xdb: {  	_ =	swait.ge [sflag:s29], $0x4000  }
0xdc: {  	[sflag:s29] =	ssyncset.done $0x0  }
0xdd: {  	[sflag:s29] =	ssyncadd.s32 $0xFFFFC000  }
0xde: {  	_ =	swait.ge [sflag:s30], $0x4000  }
0xdf: {  	[sflag:s30] =	ssyncset.done $0x0  }
0xe0: {  	[sflag:s30] =	ssyncadd.s32 $0xFFFFC000  }
0xe1: {  	p0 =	sne.s32 s5, $0x1;
	_ =	swait.ge [sflag:s31], $0x4000  }
.Ltmp0:
0xe2: {  	[sflag:s31] =	ssyncset.done $0x0;
	(pc) =	sbr.rel @p0 .LBB2_1-.Ltmp0, $4  }
0xe3: {  	[sflag:s31] =	ssyncadd.s32 $0xFFFFC000  }
0xe4: {  	_ =	swait.ge [sflag:s2], $0x4000  }
0xe5: {  	[sflag:s2] =	ssyncset.done $0x0  }
0xe6: {  	s5 =	sadd.s32 $0xFFFFFFFF, s5;
	[sflag:s2] =	ssyncadd.s32 $0xFFFFC000  }
0xe7: {  	_ =	sfence.sel $0x180000  }
0xe8: {  	[bflag:$0x0] =	sbarrier.arrive $0xFFFF  }
0xe9: {  	_ =	strace $0x90000047  }
0xea: {  	s0 =	stileid.u32;
	[bflag:$0x2] =	sbarrier.arrive $0xFFFF  }
0xeb: {  	p0 =	sne.s32 s0, $0x0;
	s0 =	rddreg [dreg:$0x3]  }
0xec: {  	s0 =	sadd.s32 @!p0 $0x100000, s0  }
0xed: {  	[sflag:s0] =	ssyncadd.tile.s32 @!p0 $0x1;
	_ =	shalt  }
.Lfunc_end2:
_tile_overlayer_lowered:
.L_overlay_start_2:
0xee: {  	(tag) =	ssettag $0x2  }
0xef: {  	s0 =	rddreg [dreg:$0x0];
	s2 =	stileid.u32  }
0xf0: {  	s1 =	rddreg [dreg:$0x1];
	p0 =	sne.s32 s2, $0x0  }
0xf1: {  	s3 =	rddreg [dreg:$0x2];
	[bflag:$0x3] =	sbarrier.arrive $0xFFFF;
	s2 =	simm.s32 @!p0 $0x1C09  }
0xf2: {  	[timem:s3], [sflag:s2] =	dma.local @!p0 [hbm:s0], s1  }
0xf3: {  	s0 =	simm.s32 @!p0 $0x9  }
0xf4: {  	_ =	swait.ge @!p0 [sflag:s0], s1  }
0xf5: {  	s1 =	ssub.s32 @!p0 $0x0, s1;
	[sflag:s0] =	ssyncset.done @!p0 $0x0  }
0xf6: {  	[sflag:s0] =	ssyncadd.s32 @!p0 s1  }
0xf7: {  	[bflag:$0x3] =	sbarrier.arrive $0xFFFF  }
0xf8: {  	_ =	shalt  }

</sc_bundles>
